<compile_context>
chip_gen: v7x
topology: tpu7x:2x2x1
jax: 0.10.2.dev20260603
libtpu: 0.0.44.dev20260713+nightly
codegen_flags: <defaults>
</compile_context>

<pallas_src>
import jax
import jax.numpy as jnp
from jax import lax
from jax.experimental import pallas as pl
from jax.experimental.pallas import tpu as pltpu
from jax.experimental.pallas import tpu_sc as plsc

_N = 100000
_G = 16
_NS = 16
_STRIDE = 6240
_CHUNK = 6400
_VECS = _CHUNK // 16


def _fused_body(batch_hbm, ctab_hbm, out_hbm,
                chunk_v, pres_v, ctab_v, presall_v, out_v, zero_v, shared):
    s = lax.axis_index("s")

    @pl.when(s == 0)
    def _():
        zero_v[...] = jnp.zeros((16,), jnp.float32)
        pltpu.sync_copy(zero_v, shared)
        pltpu.sync_copy(ctab_hbm, ctab_v)

    pltpu.sync_copy(batch_hbm.at[pl.ds(s * _STRIDE, _CHUNK)], chunk_v)
    plsc.subcore_barrier()

    pres_v[...] = jnp.zeros((16,), jnp.float32)
    ones = jnp.ones((16,), jnp.float32)

    def step(i, carry):
        idx = chunk_v[pl.ds(i * 16, 16)]
        plsc.store_scatter(pres_v, [idx], ones)
        return carry

    lax.fori_loop(0, _VECS, step, 0)
    pltpu.sync_copy(pres_v, shared.at[jnp.arange(16, dtype=jnp.int32)], add=True)
    plsc.subcore_barrier()

    @pl.when(s == 0)
    def _():
        pltpu.sync_copy(shared, presall_v)
        pv = presall_v[...]
        c0 = ctab_v[pl.ds(0, 16)]
        c1 = ctab_v[pl.ds(16, 16)]
        for seg in range(_G):
            p = pv[seg]

            @pl.when(p > 0.0)
            def _():
                out_v[pl.ds(16 * seg, 16)] = c0

            @pl.when(p <= 0.0)
            def _():
                out_v[pl.ds(16 * seg, 16)] = c1

        pltpu.sync_copy(out_v, out_hbm)


_fused_sc = pl.kernel(
    _fused_body,
    out_type=jax.ShapeDtypeStruct((_G * 16,), jnp.float32),
    mesh=plsc.VectorSubcoreMesh(core_axis_name="c", subcore_axis_name="s"),
    scratch_types=[
        pltpu.VMEM((_CHUNK,), jnp.int32),
        pltpu.VMEM((16,), jnp.float32),
        pltpu.VMEM((32,), jnp.float32),
        pltpu.VMEM((16,), jnp.float32),
        pltpu.VMEM((_G * 16,), jnp.float32),
        pltpu.VMEM((16,), jnp.float32),
        pltpu.VMEM_SHARED((16,), jnp.float32),
    ],
    compiler_params=pltpu.CompilerParams(needs_layout_passes=False),
)


def _table_kernel(wfc1_ref, bfc1_ref, wfc2_ref, bfc2_ref,
                  wlab_ref, blab_ref, wbb_ref, bbb_ref, ctab_ref):
    zero = jnp.zeros((1, 256), jnp.float32)
    ninf = jnp.full((1, 256), -jnp.inf, jnp.float32)
    g2 = jnp.concatenate([zero, ninf], axis=0)
    h = jnp.maximum(jnp.dot(g2, wfc1_ref[...],
                            preferred_element_type=jnp.float32) + bfc1_ref[...], 0.0)
    h = jnp.maximum(jnp.dot(h, wfc2_ref[...],
                            preferred_element_type=jnp.float32) + bfc2_ref[...], 0.0)
    lab = jnp.dot(h, wlab_ref[...],
                  preferred_element_type=jnp.float32) + blab_ref[...]
    bb = jnp.dot(h, wbb_ref[...],
                 preferred_element_type=jnp.float32) + bbb_ref[...]
    ctab_ref[...] = jnp.concatenate([lab, bb], axis=1)


def kernel(pos, batch, W1c1, b1c1, W2c1, b2c1, W1c2, b1c2, W2c2, b2c2,
           Wfc1, bfc1, Wfc2, bfc2, Wlab, blab, Wbb, bbb):
    ctab = pl.pallas_call(
        _table_kernel,
        out_shape=jax.ShapeDtypeStruct((2, 16), jnp.float32),
    )(Wfc1, bfc1.reshape(1, 256), Wfc2, bfc2.reshape(1, 128),
      Wlab, blab.reshape(1, 10), Wbb, bbb.reshape(1, 6))
    out = _fused_sc(batch, ctab.reshape(32))
    out = out.reshape(_G, 16)
    return (out[:, :10], out[:, 10:16])

# --- scband reference (transcript-rebuilt; emitter-appended) ---
"""Pipeline reference for scband-point-net-87660282511736 (READ-ONLY COPY).

The authoritative reference and input builder live on the scoring server;
editing this copy changes nothing except your own understanding.
"""

import jax, jax.numpy as jnp
import numpy as np

N = 100000
NUM_GRAPHS = 16


def _pointnet_conv(x, pos, W1, b1, W2, b2):
    # Faithful to the torch module: edge_index is an EMPTY (2, 0) tensor,
    # so propagate with aggr='max' yields an all-zeros output (PyG fill value 0).
    edge_index = jnp.zeros((2, 0), dtype=jnp.int32)
    src, dst = edge_index[0], edge_index[1]
    x_j = x[src]
    rel = pos[src] - pos[dst]
    m = jnp.concatenate([x_j, rel], axis=-1)
    m = jax.nn.relu(m @ W1 + b1) @ W2 + b2
    out = jnp.zeros((x.shape[0], W2.shape[1]), dtype=x.dtype)
    out = out.at[dst].max(m)
    return out


def _linear_init(k, fan_in, fan_out):
    kw, kb = jax.random.split(k)
    s = 1.0 / np.sqrt(fan_in)
    W = jax.random.uniform(kw, (fan_in, fan_out), jnp.float32, -s, s)
    b = jax.random.uniform(kb, (fan_out,), jnp.float32, -s, s)
    return W, b


def setup_inputs(seed: int = 0) -> dict:
    key = jax.random.key(seed)
    ks = [jax.random.fold_in(key, i) for i in range(12)]
    pos = jax.random.normal(ks[0], (N, 3), dtype=jnp.float32)
    batch = jnp.sort(jax.random.randint(ks[1], (N,), 0, NUM_GRAPHS)).astype(jnp.int32)
    W1c1, b1c1 = _linear_init(ks[2], 3 + 3, 128)
    W2c1, b2c1 = _linear_init(ks[3], 128, 128)
    W1c2, b1c2 = _linear_init(ks[4], 128 + 3, 256)
    W2c2, b2c2 = _linear_init(ks[5], 256, 256)
    Wfc1, bfc1 = _linear_init(ks[6], 256, 256)
    Wfc2, bfc2 = _linear_init(ks[7], 256, 128)
    Wlab, blab = _linear_init(ks[8], 128, 10)
    Wbb, bbb = _linear_init(ks[9], 128, 6)
    return dict(pos=pos, batch=batch,
                W1c1=W1c1, b1c1=b1c1, W2c1=W2c1, b2c1=b2c1,
                W1c2=W1c2, b1c2=b1c2, W2c2=W2c2, b2c2=b2c2,
                Wfc1=Wfc1, bfc1=bfc1, Wfc2=Wfc2, bfc2=bfc2,
                Wlab=Wlab, blab=blab, Wbb=Wbb, bbb=bbb)


def reference(pos, batch, W1c1, b1c1, W2c1, b2c1, W1c2, b1c2, W2c2, b2c2,
              Wfc1, bfc1, Wfc2, bfc2, Wlab, blab, Wbb, bbb):
    x = pos
    x = _pointnet_conv(x, pos, W1c1, b1c1, W2c1, b2c1)
    x = _pointnet_conv(x, pos, W1c2, b1c2, W2c2, b2c2)
    g = jax.ops.segment_max(x, batch, num_segments=NUM_GRAPHS)
    h = jax.nn.relu(g @ Wfc1 + bfc1)
    h = jax.nn.relu(h @ Wfc2 + bfc2)
    labels = h @ Wlab + blab
    bbox = h @ Wbb + bbb
    return (labels, bbox)

if __name__ == "__main__":
    import jax
    _d = setup_inputs()
    print(jax.jit(kernel)(*tuple(_d.values())))

</pallas_src>

<mosaic_0001>
#map = affine_map<(d0, d1) -> (0)>
module attributes {stable_mosaic.version = 14 : i64} {
  func.func @_fused_body(%arg0: i32, %arg1: i32, %arg2: memref<100000xi32, #tpu.memory_space<hbm>>, %arg3: memref<32xf32, #tpu.memory_space<hbm>>, %arg4: memref<256xf32, #tpu.memory_space<hbm>>, %arg5: memref<6400xi32, #tpu.memory_space<vmem>>, %arg6: memref<16xf32, #tpu.memory_space<vmem>>, %arg7: memref<32xf32, #tpu.memory_space<vmem>>, %arg8: memref<16xf32, #tpu.memory_space<vmem>>, %arg9: memref<256xf32, #tpu.memory_space<vmem>>, %arg10: memref<16xf32, #tpu.memory_space<vmem>>, %arg11: memref<16xf32, #tpu.memory_space<vmem_shared>>) attributes {dimension_semantics = [#tpu.dimension_semantics<core_parallel>, #tpu.dimension_semantics<subcore_parallel>], iteration_bounds = array<i64: 2, 16>, scalar_prefetch = 0 : i64, scratch_operands = 7 : i64, tpu.core_type = #tpu.core_type<sc_vector_subcore>, window_params = [{transform_indices = #map}, {transform_indices = #map}, {transform_indices = #map}]} {
    %eq3A = arith.constant 0 : i32
    %eq3A_0 = arith.cmpi eq, %arg1, %eq3A : i32
    %convert_element_type3A = arith.extui %eq3A_0 : i1 to i32
    %cond3A = arith.constant 0 : i32
    %cond3A_1 = arith.cmpi ne, %convert_element_type3A, %cond3A : i32
    scf.if %cond3A_1 {
      %broadcast_in_dim3A_18 = arith.constant 0.000000e+00 : f32
      %broadcast_in_dim3A_19 = vector.broadcast %broadcast_in_dim3A_18 : f32 to vector<16xf32>
      %swap3A_20 = arith.constant 0 : index
      %swap3A_21 = tpu.vector_load %arg10[%swap3A_20] {strides = array<i32>} : memref<16xf32, #tpu.memory_space<vmem>>, vector<16xf32>,
      tpu.vector_store %arg10[%swap3A_20], %broadcast_in_dim3A_19 {strides = array<i32>} : memref<16xf32, #tpu.memory_space<vmem>>, vector<16xf32>,
      "tpu.region"() ({
        %run_scoped3A = tpu.sem_alloc : memref<!tpu.dma_semaphore, #tpu.memory_space<semaphore_mem>>
        tpu.enqueue_dma source(%arg10 : memref<16xf32, #tpu.memory_space<vmem>>) target(%arg11 : memref<16xf32, #tpu.memory_space<vmem_shared>>) target_semaphore(%run_scoped3A : memref<!tpu.dma_semaphore, #tpu.memory_space<semaphore_mem>>)
        tpu.wait_dma2 semaphore(%run_scoped3A : memref<!tpu.dma_semaphore, #tpu.memory_space<semaphore_mem>>) src(%arg10 : memref<16xf32, #tpu.memory_space<vmem>>) dst(%arg11 : memref<16xf32, #tpu.memory_space<vmem_shared>>)
        tpu.yield
      }) : () -> ()
      "tpu.region"() ({
        %run_scoped3A = tpu.sem_alloc : memref<!tpu.dma_semaphore, #tpu.memory_space<semaphore_mem>>
        tpu.enqueue_dma source(%arg3 : memref<32xf32, #tpu.memory_space<hbm>>) target(%arg7 : memref<32xf32, #tpu.memory_space<vmem>>) target_semaphore(%run_scoped3A : memref<!tpu.dma_semaphore, #tpu.memory_space<semaphore_mem>>)
        tpu.wait_dma2 semaphore(%run_scoped3A : memref<!tpu.dma_semaphore, #tpu.memory_space<semaphore_mem>>) src(%arg3 : memref<32xf32, #tpu.memory_space<hbm>>) dst(%arg7 : memref<32xf32, #tpu.memory_space<vmem>>)
        tpu.yield
      }) : () -> ()
    } else {
    }
    %mul3A = arith.constant 6240 : i32
    %mul3A_2 = arith.muli %arg1, %mul3A : i32
    "tpu.region"() ({
      %run_scoped3A = tpu.sem_alloc : memref<!tpu.dma_semaphore, #tpu.memory_space<semaphore_mem>>
      %dma_start3A = tpu.memref_slice %arg2[%mul3A_2] : memref<100000xi32, #tpu.memory_space<hbm>> -> memref<6400xi32, #tpu.memory_space<hbm>>
      %dma_start3A_18 = tpu.memref_slice %arg2[%mul3A_2] : memref<100000xi32, #tpu.memory_space<hbm>> -> memref<6400xi32, #tpu.memory_space<hbm>>
      tpu.enqueue_dma source(%dma_start3A_18 : memref<6400xi32, #tpu.memory_space<hbm>>) target(%arg5 : memref<6400xi32, #tpu.memory_space<vmem>>) target_semaphore(%run_scoped3A : memref<!tpu.dma_semaphore, #tpu.memory_space<semaphore_mem>>)
      %dma_wait3A = tpu.memref_slice %arg2[%mul3A_2] : memref<100000xi32, #tpu.memory_space<hbm>> -> memref<6400xi32, #tpu.memory_space<hbm>>
      %dma_wait3A_19 = tpu.memref_slice %arg2[%mul3A_2] : memref<100000xi32, #tpu.memory_space<hbm>> -> memref<6400xi32, #tpu.memory_space<hbm>>
      tpu.wait_dma2 semaphore(%run_scoped3A : memref<!tpu.dma_semaphore, #tpu.memory_space<semaphore_mem>>) src(%dma_wait3A_19 : memref<6400xi32, #tpu.memory_space<hbm>>) dst(%arg5 : memref<6400xi32, #tpu.memory_space<vmem>>)
      tpu.yield
    }) : () -> ()
    %barrier3A = arith.constant 0 : index
    tpu.barrier barrier_id(%barrier3A)
    %broadcast_in_dim3A = arith.constant 0.000000e+00 : f32
    %broadcast_in_dim3A_3 = vector.broadcast %broadcast_in_dim3A : f32 to vector<16xf32>
    %swap3A = arith.constant 0 : index
    %swap3A_4 = tpu.vector_load %arg6[%swap3A] {strides = array<i32>} : memref<16xf32, #tpu.memory_space<vmem>>, vector<16xf32>,
    tpu.vector_store %arg6[%swap3A], %broadcast_in_dim3A_3 {strides = array<i32>} : memref<16xf32, #tpu.memory_space<vmem>>, vector<16xf32>,
    %broadcast_in_dim3A_5 = arith.constant 1.000000e+00 : f32
    %broadcast_in_dim3A_6 = vector.broadcast %broadcast_in_dim3A_5 : f32 to vector<16xf32>
    %scan3A = arith.constant 0 : i32
    %scan3A_7 = arith.constant 0 : i32
    %scan3A_8 = arith.constant 400 : i32
    %scan3A_9 = arith.addi %scan3A_7, %scan3A_8 : i32
    %scan3A_10 = arith.constant 1 : i32
    scf.for %scan3A_18 = %scan3A_7 to %scan3A_9 step %scan3A_10  : i32 {
      %mul3A_19 = arith.constant 16 : i32
      %mul3A_20 = arith.muli %scan3A_18, %mul3A_19 : i32
      %get3A = arith.index_cast %mul3A_20 : i32 to index
      %get3A_21 = tpu.vector_load %arg5[%get3A] {strides = array<i32>} : memref<6400xi32, #tpu.memory_space<vmem>>, vector<16xi32>,
      tpu.vector_store_idx %arg6[%get3A_21], %broadcast_in_dim3A_6 : memref<16xf32, #tpu.memory_space<vmem>>[vector<16xi32>], vector<16xf32>,
    }
    %scan3A_11 = arith.constant 400 : i32
    %iota3A = tpu.iota {dimensions = array<i32: 0>} : vector<16xi32>
    "tpu.region"() ({
      %run_scoped3A = tpu.sem_alloc : memref<!tpu.dma_semaphore, #tpu.memory_space<semaphore_mem>>
      %dma_start3A = arith.constant 0 : i32
      %dma_start3A_18 = tpu.memref_slice %arg11[%dma_start3A] : memref<16xf32, #tpu.memory_space<vmem_shared>> -> memref<16xf32, #tpu.memory_space<vmem_shared>>
      tpu.enqueue_indirect_dma source(%arg6 : memref<16xf32, #tpu.memory_space<vmem>>) target(%dma_start3A_18 : memref<16xf32, #tpu.memory_space<vmem_shared>>) offsets(%iota3A : vector<16xi32>) semaphore(%run_scoped3A : memref<!tpu.dma_semaphore, #tpu.memory_space<semaphore_mem>>) {add = true}
      %dma_wait3A = arith.constant 0 : i32
      %dma_wait3A_19 = tpu.memref_slice %arg11[%dma_wait3A] : memref<16xf32, #tpu.memory_space<vmem_shared>> -> memref<16xf32, #tpu.memory_space<vmem_shared>>
      tpu.wait_indirect_dma semaphore(%run_scoped3A : memref<!tpu.dma_semaphore, #tpu.memory_space<semaphore_mem>>) src(%arg6 : memref<16xf32, #tpu.memory_space<vmem>>) dst(%dma_wait3A_19 : memref<16xf32, #tpu.memory_space<vmem_shared>>)
      tpu.yield
    }) : () -> ()
    %barrier3A_12 = arith.constant 0 : index
    tpu.barrier barrier_id(%barrier3A_12)
    %eq3A_13 = arith.constant 0 : i32
    %eq3A_14 = arith.cmpi eq, %arg1, %eq3A_13 : i32
    %convert_element_type3A_15 = arith.extui %eq3A_14 : i1 to i32
    %cond3A_16 = arith.constant 0 : i32
    %cond3A_17 = arith.cmpi ne, %convert_element_type3A_15, %cond3A_16 : i32
    scf.if %cond3A_17 {
      "tpu.region"() ({
        %run_scoped3A = tpu.sem_alloc : memref<!tpu.dma_semaphore, #tpu.memory_space<semaphore_mem>>
        tpu.enqueue_dma source(%arg11 : memref<16xf32, #tpu.memory_space<vmem_shared>>) target(%arg8 : memref<16xf32, #tpu.memory_space<vmem>>) target_semaphore(%run_scoped3A : memref<!tpu.dma_semaphore, #tpu.memory_space<semaphore_mem>>)
        tpu.wait_dma2 semaphore(%run_scoped3A : memref<!tpu.dma_semaphore, #tpu.memory_space<semaphore_mem>>) src(%arg11 : memref<16xf32, #tpu.memory_space<vmem_shared>>) dst(%arg8 : memref<16xf32, #tpu.memory_space<vmem>>)
        tpu.yield
      }) : () -> ()
      %get3A = arith.constant 0 : index
      %get3A_18 = tpu.vector_load %arg8[%get3A] {strides = array<i32>} : memref<16xf32, #tpu.memory_space<vmem>>, vector<16xf32>,
      %get3A_19 = arith.constant 0 : index
      %get3A_20 = tpu.vector_load %arg7[%get3A_19] {strides = array<i32>} : memref<32xf32, #tpu.memory_space<vmem>>, vector<16xf32>,
      %get3A_21 = arith.constant 16 : index
      %get3A_22 = tpu.vector_load %arg7[%get3A_21] {strides = array<i32>} : memref<32xf32, #tpu.memory_space<vmem>>, vector<16xf32>,
      %slice3A = vector.extract_strided_slice %get3A_18 {offsets = [0], sizes = [1], strides = [1]} : vector<16xf32> to vector<1xf32>
      %squeeze3A = vector.extract %slice3A[0] : f32 from vector<1xf32>
      %gt3A = arith.constant 0.000000e+00 : f32
      %gt3A_23 = arith.cmpf ogt, %squeeze3A, %gt3A : f32
      %convert_element_type3A_24 = arith.extui %gt3A_23 : i1 to i32
      %cond3A_25 = arith.constant 0 : i32
      %cond3A_26 = arith.cmpi ne, %convert_element_type3A_24, %cond3A_25 : i32
      scf.if %cond3A_26 {
        %swap3A_211 = arith.constant 0 : index
        %swap3A_212 = tpu.vector_load %arg9[%swap3A_211] {strides = array<i32>} : memref<256xf32, #tpu.memory_space<vmem>>, vector<16xf32>,
        tpu.vector_store %arg9[%swap3A_211], %get3A_20 {strides = array<i32>} : memref<256xf32, #tpu.memory_space<vmem>>, vector<16xf32>,
      } else {
      }
      %le3A = arith.constant 0.000000e+00 : f32
      %le3A_27 = arith.cmpf ole, %squeeze3A, %le3A : f32
      %convert_element_type3A_28 = arith.extui %le3A_27 : i1 to i32
      %cond3A_29 = arith.constant 0 : i32
      %cond3A_30 = arith.cmpi ne, %convert_element_type3A_28, %cond3A_29 : i32
      scf.if %cond3A_30 {
        %swap3A_211 = arith.constant 0 : index
        %swap3A_212 = tpu.vector_load %arg9[%swap3A_211] {strides = array<i32>} : memref<256xf32, #tpu.memory_space<vmem>>, vector<16xf32>,
        tpu.vector_store %arg9[%swap3A_211], %get3A_22 {strides = array<i32>} : memref<256xf32, #tpu.memory_space<vmem>>, vector<16xf32>,
      } else {
      }
      %slice3A_31 = vector.extract_strided_slice %get3A_18 {offsets = [1], sizes = [1], strides = [1]} : vector<16xf32> to vector<1xf32>
      %squeeze3A_32 = vector.extract %slice3A_31[0] : f32 from vector<1xf32>
      %gt3A_33 = arith.constant 0.000000e+00 : f32
      %gt3A_34 = arith.cmpf ogt, %squeeze3A_32, %gt3A_33 : f32
      %convert_element_type3A_35 = arith.extui %gt3A_34 : i1 to i32
      %cond3A_36 = arith.constant 0 : i32
      %cond3A_37 = arith.cmpi ne, %convert_element_type3A_35, %cond3A_36 : i32
      scf.if %cond3A_37 {
        %swap3A_211 = arith.constant 16 : index
        %swap3A_212 = tpu.vector_load %arg9[%swap3A_211] {strides = array<i32>} : memref<256xf32, #tpu.memory_space<vmem>>, vector<16xf32>,
        tpu.vector_store %arg9[%swap3A_211], %get3A_20 {strides = array<i32>} : memref<256xf32, #tpu.memory_space<vmem>>, vector<16xf32>,
      } else {
      }
      %le3A_38 = arith.constant 0.000000e+00 : f32
      %le3A_39 = arith.cmpf ole, %squeeze3A_32, %le3A_38 : f32
      %convert_element_type3A_40 = arith.extui %le3A_39 : i1 to i32
      %cond3A_41 = arith.constant 0 : i32
      %cond3A_42 = arith.cmpi ne, %convert_element_type3A_40, %cond3A_41 : i32
      scf.if %cond3A_42 {
        %swap3A_211 = arith.constant 16 : index
        %swap3A_212 = tpu.vector_load %arg9[%swap3A_211] {strides = array<i32>} : memref<256xf32, #tpu.memory_space<vmem>>, vector<16xf32>,
        tpu.vector_store %arg9[%swap3A_211], %get3A_22 {strides = array<i32>} : memref<256xf32, #tpu.memory_space<vmem>>, vector<16xf32>,
      } else {
      }
      %slice3A_43 = vector.extract_strided_slice %get3A_18 {offsets = [2], sizes = [1], strides = [1]} : vector<16xf32> to vector<1xf32>
      %squeeze3A_44 = vector.extract %slice3A_43[0] : f32 from vector<1xf32>
      %gt3A_45 = arith.constant 0.000000e+00 : f32
      %gt3A_46 = arith.cmpf ogt, %squeeze3A_44, %gt3A_45 : f32
      %convert_element_type3A_47 = arith.extui %gt3A_46 : i1 to i32
      %cond3A_48 = arith.constant 0 : i32
      %cond3A_49 = arith.cmpi ne, %convert_element_type3A_47, %cond3A_48 : i32
      scf.if %cond3A_49 {
        %swap3A_211 = arith.constant 32 : index
        %swap3A_212 = tpu.vector_load %arg9[%swap3A_211] {strides = array<i32>} : memref<256xf32, #tpu.memory_space<vmem>>, vector<16xf32>,
        tpu.vector_store %arg9[%swap3A_211], %get3A_20 {strides = array<i32>} : memref<256xf32, #tpu.memory_space<vmem>>, vector<16xf32>,
      } else {
      }
      %le3A_50 = arith.constant 0.000000e+00 : f32
      %le3A_51 = arith.cmpf ole, %squeeze3A_44, %le3A_50 : f32
      %convert_element_type3A_52 = arith.extui %le3A_51 : i1 to i32
      %cond3A_53 = arith.constant 0 : i32
      %cond3A_54 = arith.cmpi ne, %convert_element_type3A_52, %cond3A_53 : i32
      scf.if %cond3A_54 {
        %swap3A_211 = arith.constant 32 : index
        %swap3A_212 = tpu.vector_load %arg9[%swap3A_211] {strides = array<i32>} : memref<256xf32, #tpu.memory_space<vmem>>, vector<16xf32>,
        tpu.vector_store %arg9[%swap3A_211], %get3A_22 {strides = array<i32>} : memref<256xf32, #tpu.memory_space<vmem>>, vector<16xf32>,
      } else {
      }
      %slice3A_55 = vector.extract_strided_slice %get3A_18 {offsets = [3], sizes = [1], strides = [1]} : vector<16xf32> to vector<1xf32>
      %squeeze3A_56 = vector.extract %slice3A_55[0] : f32 from vector<1xf32>
      %gt3A_57 = arith.constant 0.000000e+00 : f32
      %gt3A_58 = arith.cmpf ogt, %squeeze3A_56, %gt3A_57 : f32
      %convert_element_type3A_59 = arith.extui %gt3A_58 : i1 to i32
      %cond3A_60 = arith.constant 0 : i32
      %cond3A_61 = arith.cmpi ne, %convert_element_type3A_59, %cond3A_60 : i32
      scf.if %cond3A_61 {
        %swap3A_211 = arith.constant 48 : index
        %swap3A_212 = tpu.vector_load %arg9[%swap3A_211] {strides = array<i32>} : memref<256xf32, #tpu.memory_space<vmem>>, vector<16xf32>,
        tpu.vector_store %arg9[%swap3A_211], %get3A_20 {strides = array<i32>} : memref<256xf32, #tpu.memory_space<vmem>>, vector<16xf32>,
      } else {
      }
      %le3A_62 = arith.constant 0.000000e+00 : f32
      %le3A_63 = arith.cmpf ole, %squeeze3A_56, %le3A_62 : f32
      %convert_element_type3A_64 = arith.extui %le3A_63 : i1 to i32
      %cond3A_65 = arith.constant 0 : i32
      %cond3A_66 = arith.cmpi ne, %convert_element_type3A_64, %cond3A_65 : i32
      scf.if %cond3A_66 {
        %swap3A_211 = arith.constant 48 : index
        %swap3A_212 = tpu.vector_load %arg9[%swap3A_211] {strides = array<i32>} : memref<256xf32, #tpu.memory_space<vmem>>, vector<16xf32>,
        tpu.vector_store %arg9[%swap3A_211], %get3A_22 {strides = array<i32>} : memref<256xf32, #tpu.memory_space<vmem>>, vector<16xf32>,
      } else {
      }
      %slice3A_67 = vector.extract_strided_slice %get3A_18 {offsets = [4], sizes = [1], strides = [1]} : vector<16xf32> to vector<1xf32>
      %squeeze3A_68 = vector.extract %slice3A_67[0] : f32 from vector<1xf32>
      %gt3A_69 = arith.constant 0.000000e+00 : f32
      %gt3A_70 = arith.cmpf ogt, %squeeze3A_68, %gt3A_69 : f32
      %convert_element_type3A_71 = arith.extui %gt3A_70 : i1 to i32
      %cond3A_72 = arith.constant 0 : i32
      %cond3A_73 = arith.cmpi ne, %convert_element_type3A_71, %cond3A_72 : i32
      scf.if %cond3A_73 {
        %swap3A_211 = arith.constant 64 : index
        %swap3A_212 = tpu.vector_load %arg9[%swap3A_211] {strides = array<i32>} : memref<256xf32, #tpu.memory_space<vmem>>, vector<16xf32>,
        tpu.vector_store %arg9[%swap3A_211], %get3A_20 {strides = array<i32>} : memref<256xf32, #tpu.memory_space<vmem>>, vector<16xf32>,
      } else {
      }
      %le3A_74 = arith.constant 0.000000e+00 : f32
      %le3A_75 = arith.cmpf ole, %squeeze3A_68, %le3A_74 : f32
      %convert_element_type3A_76 = arith.extui %le3A_75 : i1 to i32
      %cond3A_77 = arith.constant 0 : i32
      %cond3A_78 = arith.cmpi ne, %convert_element_type3A_76, %cond3A_77 : i32
      scf.if %cond3A_78 {
        %swap3A_211 = arith.constant 64 : index
        %swap3A_212 = tpu.vector_load %arg9[%swap3A_211] {strides = array<i32>} : memref<256xf32, #tpu.memory_space<vmem>>, vector<16xf32>,
        tpu.vector_store %arg9[%swap3A_211], %get3A_22 {strides = array<i32>} : memref<256xf32, #tpu.memory_space<vmem>>, vector<16xf32>,
      } else {
      }
      %slice3A_79 = vector.extract_strided_slice %get3A_18 {offsets = [5], sizes = [1], strides = [1]} : vector<16xf32> to vector<1xf32>
      %squeeze3A_80 = vector.extract %slice3A_79[0] : f32 from vector<1xf32>
      %gt3A_81 = arith.constant 0.000000e+00 : f32
      %gt3A_82 = arith.cmpf ogt, %squeeze3A_80, %gt3A_81 : f32
      %convert_element_type3A_83 = arith.extui %gt3A_82 : i1 to i32
      %cond3A_84 = arith.constant 0 : i32
      %cond3A_85 = arith.cmpi ne, %convert_element_type3A_83, %cond3A_84 : i32
      scf.if %cond3A_85 {
        %swap3A_211 = arith.constant 80 : index
        %swap3A_212 = tpu.vector_load %arg9[%swap3A_211] {strides = array<i32>} : memref<256xf32, #tpu.memory_space<vmem>>, vector<16xf32>,
        tpu.vector_store %arg9[%swap3A_211], %get3A_20 {strides = array<i32>} : memref<256xf32, #tpu.memory_space<vmem>>, vector<16xf32>,
      } else {
      }
      %le3A_86 = arith.constant 0.000000e+00 : f32
      %le3A_87 = arith.cmpf ole, %squeeze3A_80, %le3A_86 : f32
      %convert_element_type3A_88 = arith.extui %le3A_87 : i1 to i32
      %cond3A_89 = arith.constant 0 : i32
      %cond3A_90 = arith.cmpi ne, %convert_element_type3A_88, %cond3A_89 : i32
      scf.if %cond3A_90 {
        %swap3A_211 = arith.constant 80 : index
        %swap3A_212 = tpu.vector_load %arg9[%swap3A_211] {strides = array<i32>} : memref<256xf32, #tpu.memory_space<vmem>>, vector<16xf32>,
        tpu.vector_store %arg9[%swap3A_211], %get3A_22 {strides = array<i32>} : memref<256xf32, #tpu.memory_space<vmem>>, vector<16xf32>,
      } else {
      }
      %slice3A_91 = vector.extract_strided_slice %get3A_18 {offsets = [6], sizes = [1], strides = [1]} : vector<16xf32> to vector<1xf32>
      %squeeze3A_92 = vector.extract %slice3A_91[0] : f32 from vector<1xf32>
      %gt3A_93 = arith.constant 0.000000e+00 : f32
      %gt3A_94 = arith.cmpf ogt, %squeeze3A_92, %gt3A_93 : f32
      %convert_element_type3A_95 = arith.extui %gt3A_94 : i1 to i32
      %cond3A_96 = arith.constant 0 : i32
      %cond3A_97 = arith.cmpi ne, %convert_element_type3A_95, %cond3A_96 : i32
      scf.if %cond3A_97 {
        %swap3A_211 = arith.constant 96 : index
        %swap3A_212 = tpu.vector_load %arg9[%swap3A_211] {strides = array<i32>} : memref<256xf32, #tpu.memory_space<vmem>>, vector<16xf32>,
        tpu.vector_store %arg9[%swap3A_211], %get3A_20 {strides = array<i32>} : memref<256xf32, #tpu.memory_space<vmem>>, vector<16xf32>,
      } else {
      }
      %le3A_98 = arith.constant 0.000000e+00 : f32
      %le3A_99 = arith.cmpf ole, %squeeze3A_92, %le3A_98 : f32
      %convert_element_type3A_100 = arith.extui %le3A_99 : i1 to i32
      %cond3A_101 = arith.constant 0 : i32
      %cond3A_102 = arith.cmpi ne, %convert_element_type3A_100, %cond3A_101 : i32
      scf.if %cond3A_102 {
        %swap3A_211 = arith.constant 96 : index
        %swap3A_212 = tpu.vector_load %arg9[%swap3A_211] {strides = array<i32>} : memref<256xf32, #tpu.memory_space<vmem>>, vector<16xf32>,
        tpu.vector_store %arg9[%swap3A_211], %get3A_22 {strides = array<i32>} : memref<256xf32, #tpu.memory_space<vmem>>, vector<16xf32>,
      } else {
      }
      %slice3A_103 = vector.extract_strided_slice %get3A_18 {offsets = [7], sizes = [1], strides = [1]} : vector<16xf32> to vector<1xf32>
      %squeeze3A_104 = vector.extract %slice3A_103[0] : f32 from vector<1xf32>
      %gt3A_105 = arith.constant 0.000000e+00 : f32
      %gt3A_106 = arith.cmpf ogt, %squeeze3A_104, %gt3A_105 : f32
      %convert_element_type3A_107 = arith.extui %gt3A_106 : i1 to i32
      %cond3A_108 = arith.constant 0 : i32
      %cond3A_109 = arith.cmpi ne, %convert_element_type3A_107, %cond3A_108 : i32
      scf.if %cond3A_109 {
        %swap3A_211 = arith.constant 112 : index
        %swap3A_212 = tpu.vector_load %arg9[%swap3A_211] {strides = array<i32>} : memref<256xf32, #tpu.memory_space<vmem>>, vector<16xf32>,
        tpu.vector_store %arg9[%swap3A_211], %get3A_20 {strides = array<i32>} : memref<256xf32, #tpu.memory_space<vmem>>, vector<16xf32>,
      } else {
      }
      %le3A_110 = arith.constant 0.000000e+00 : f32
      %le3A_111 = arith.cmpf ole, %squeeze3A_104, %le3A_110 : f32
      %convert_element_type3A_112 = arith.extui %le3A_111 : i1 to i32
      %cond3A_113 = arith.constant 0 : i32
      %cond3A_114 = arith.cmpi ne, %convert_element_type3A_112, %cond3A_113 : i32
      scf.if %cond3A_114 {
        %swap3A_211 = arith.constant 112 : index
        %swap3A_212 = tpu.vector_load %arg9[%swap3A_211] {strides = array<i32>} : memref<256xf32, #tpu.memory_space<vmem>>, vector<16xf32>,
        tpu.vector_store %arg9[%swap3A_211], %get3A_22 {strides = array<i32>} : memref<256xf32, #tpu.memory_space<vmem>>, vector<16xf32>,
      } else {
      }
      %slice3A_115 = vector.extract_strided_slice %get3A_18 {offsets = [8], sizes = [1], strides = [1]} : vector<16xf32> to vector<1xf32>
      %squeeze3A_116 = vector.extract %slice3A_115[0] : f32 from vector<1xf32>
      %gt3A_117 = arith.constant 0.000000e+00 : f32
      %gt3A_118 = arith.cmpf ogt, %squeeze3A_116, %gt3A_117 : f32
      %convert_element_type3A_119 = arith.extui %gt3A_118 : i1 to i32
      %cond3A_120 = arith.constant 0 : i32
      %cond3A_121 = arith.cmpi ne, %convert_element_type3A_119, %cond3A_120 : i32
      scf.if %cond3A_121 {
        %swap3A_211 = arith.constant 128 : index
        %swap3A_212 = tpu.vector_load %arg9[%swap3A_211] {strides = array<i32>} : memref<256xf32, #tpu.memory_space<vmem>>, vector<16xf32>,
        tpu.vector_store %arg9[%swap3A_211], %get3A_20 {strides = array<i32>} : memref<256xf32, #tpu.memory_space<vmem>>, vector<16xf32>,
      } else {
      }
      %le3A_122 = arith.constant 0.000000e+00 : f32
      %le3A_123 = arith.cmpf ole, %squeeze3A_116, %le3A_122 : f32
      %convert_element_type3A_124 = arith.extui %le3A_123 : i1 to i32
      %cond3A_125 = arith.constant 0 : i32
      %cond3A_126 = arith.cmpi ne, %convert_element_type3A_124, %cond3A_125 : i32
      scf.if %cond3A_126 {
        %swap3A_211 = arith.constant 128 : index
        %swap3A_212 = tpu.vector_load %arg9[%swap3A_211] {strides = array<i32>} : memref<256xf32, #tpu.memory_space<vmem>>, vector<16xf32>,
        tpu.vector_store %arg9[%swap3A_211], %get3A_22 {strides = array<i32>} : memref<256xf32, #tpu.memory_space<vmem>>, vector<16xf32>,
      } else {
      }
      %slice3A_127 = vector.extract_strided_slice %get3A_18 {offsets = [9], sizes = [1], strides = [1]} : vector<16xf32> to vector<1xf32>
      %squeeze3A_128 = vector.extract %slice3A_127[0] : f32 from vector<1xf32>
      %gt3A_129 = arith.constant 0.000000e+00 : f32
      %gt3A_130 = arith.cmpf ogt, %squeeze3A_128, %gt3A_129 : f32
      %convert_element_type3A_131 = arith.extui %gt3A_130 : i1 to i32
      %cond3A_132 = arith.constant 0 : i32
      %cond3A_133 = arith.cmpi ne, %convert_element_type3A_131, %cond3A_132 : i32
      scf.if %cond3A_133 {
        %swap3A_211 = arith.constant 144 : index
        %swap3A_212 = tpu.vector_load %arg9[%swap3A_211] {strides = array<i32>} : memref<256xf32, #tpu.memory_space<vmem>>, vector<16xf32>,
        tpu.vector_store %arg9[%swap3A_211], %get3A_20 {strides = array<i32>} : memref<256xf32, #tpu.memory_space<vmem>>, vector<16xf32>,
      } else {
      }
      %le3A_134 = arith.constant 0.000000e+00 : f32
      %le3A_135 = arith.cmpf ole, %squeeze3A_128, %le3A_134 : f32
      %convert_element_type3A_136 = arith.extui %le3A_135 : i1 to i32
      %cond3A_137 = arith.constant 0 : i32
      %cond3A_138 = arith.cmpi ne, %convert_element_type3A_136, %cond3A_137 : i32
      scf.if %cond3A_138 {
        %swap3A_211 = arith.constant 144 : index
        %swap3A_212 = tpu.vector_load %arg9[%swap3A_211] {strides = array<i32>} : memref<256xf32, #tpu.memory_space<vmem>>, vector<16xf32>,
        tpu.vector_store %arg9[%swap3A_211], %get3A_22 {strides = array<i32>} : memref<256xf32, #tpu.memory_space<vmem>>, vector<16xf32>,
      } else {
      }
      %slice3A_139 = vector.extract_strided_slice %get3A_18 {offsets = [10], sizes = [1], strides = [1]} : vector<16xf32> to vector<1xf32>
      %squeeze3A_140 = vector.extract %slice3A_139[0] : f32 from vector<1xf32>
      %gt3A_141 = arith.constant 0.000000e+00 : f32
      %gt3A_142 = arith.cmpf ogt, %squeeze3A_140, %gt3A_141 : f32
      %convert_element_type3A_143 = arith.extui %gt3A_142 : i1 to i32
      %cond3A_144 = arith.constant 0 : i32
      %cond3A_145 = arith.cmpi ne, %convert_element_type3A_143, %cond3A_144 : i32
      scf.if %cond3A_145 {
        %swap3A_211 = arith.constant 160 : index
        %swap3A_212 = tpu.vector_load %arg9[%swap3A_211] {strides = array<i32>} : memref<256xf32, #tpu.memory_space<vmem>>, vector<16xf32>,
        tpu.vector_store %arg9[%swap3A_211], %get3A_20 {strides = array<i32>} : memref<256xf32, #tpu.memory_space<vmem>>, vector<16xf32>,
      } else {
      }
      %le3A_146 = arith.constant 0.000000e+00 : f32
      %le3A_147 = arith.cmpf ole, %squeeze3A_140, %le3A_146 : f32
      %convert_element_type3A_148 = arith.extui %le3A_147 : i1 to i32
      %cond3A_149 = arith.constant 0 : i32
      %cond3A_150 = arith.cmpi ne, %convert_element_type3A_148, %cond3A_149 : i32
      scf.if %cond3A_150 {
        %swap3A_211 = arith.constant 160 : index
        %swap3A_212 = tpu.vector_load %arg9[%swap3A_211] {strides = array<i32>} : memref<256xf32, #tpu.memory_space<vmem>>, vector<16xf32>,
        tpu.vector_store %arg9[%swap3A_211], %get3A_22 {strides = array<i32>} : memref<256xf32, #tpu.memory_space<vmem>>, vector<16xf32>,
      } else {
      }
      %slice3A_151 = vector.extract_strided_slice %get3A_18 {offsets = [11], sizes = [1], strides = [1]} : vector<16xf32> to vector<1xf32>
      %squeeze3A_152 = vector.extract %slice3A_151[0] : f32 from vector<1xf32>
      %gt3A_153 = arith.constant 0.000000e+00 : f32
      %gt3A_154 = arith.cmpf ogt, %squeeze3A_152, %gt3A_153 : f32
      %convert_element_type3A_155 = arith.extui %gt3A_154 : i1 to i32
      %cond3A_156 = arith.constant 0 : i32
      %cond3A_157 = arith.cmpi ne, %convert_element_type3A_155, %cond3A_156 : i32
      scf.if %cond3A_157 {
        %swap3A_211 = arith.constant 176 : index
        %swap3A_212 = tpu.vector_load %arg9[%swap3A_211] {strides = array<i32>} : memref<256xf32, #tpu.memory_space<vmem>>, vector<16xf32>,
        tpu.vector_store %arg9[%swap3A_211], %get3A_20 {strides = array<i32>} : memref<256xf32, #tpu.memory_space<vmem>>, vector<16xf32>,
      } else {
      }
      %le3A_158 = arith.constant 0.000000e+00 : f32
      %le3A_159 = arith.cmpf ole, %squeeze3A_152, %le3A_158 : f32
      %convert_element_type3A_160 = arith.extui %le3A_159 : i1 to i32
      %cond3A_161 = arith.constant 0 : i32
      %cond3A_162 = arith.cmpi ne, %convert_element_type3A_160, %cond3A_161 : i32
      scf.if %cond3A_162 {
        %swap3A_211 = arith.constant 176 : index
        %swap3A_212 = tpu.vector_load %arg9[%swap3A_211] {strides = array<i32>} : memref<256xf32, #tpu.memory_space<vmem>>, vector<16xf32>,
        tpu.vector_store %arg9[%swap3A_211], %get3A_22 {strides = array<i32>} : memref<256xf32, #tpu.memory_space<vmem>>, vector<16xf32>,
      } else {
      }
      %slice3A_163 = vector.extract_strided_slice %get3A_18 {offsets = [12], sizes = [1], strides = [1]} : vector<16xf32> to vector<1xf32>
      %squeeze3A_164 = vector.extract %slice3A_163[0] : f32 from vector<1xf32>
      %gt3A_165 = arith.constant 0.000000e+00 : f32
      %gt3A_166 = arith.cmpf ogt, %squeeze3A_164, %gt3A_165 : f32
      %convert_element_type3A_167 = arith.extui %gt3A_166 : i1 to i32
      %cond3A_168 = arith.constant 0 : i32
      %cond3A_169 = arith.cmpi ne, %convert_element_type3A_167, %cond3A_168 : i32
      scf.if %cond3A_169 {
        %swap3A_211 = arith.constant 192 : index
        %swap3A_212 = tpu.vector_load %arg9[%swap3A_211] {strides = array<i32>} : memref<256xf32, #tpu.memory_space<vmem>>, vector<16xf32>,
        tpu.vector_store %arg9[%swap3A_211], %get3A_20 {strides = array<i32>} : memref<256xf32, #tpu.memory_space<vmem>>, vector<16xf32>,
      } else {
      }
      %le3A_170 = arith.constant 0.000000e+00 : f32
      %le3A_171 = arith.cmpf ole, %squeeze3A_164, %le3A_170 : f32
      %convert_element_type3A_172 = arith.extui %le3A_171 : i1 to i32
      %cond3A_173 = arith.constant 0 : i32
      %cond3A_174 = arith.cmpi ne, %convert_element_type3A_172, %cond3A_173 : i32
      scf.if %cond3A_174 {
        %swap3A_211 = arith.constant 192 : index
        %swap3A_212 = tpu.vector_load %arg9[%swap3A_211] {strides = array<i32>} : memref<256xf32, #tpu.memory_space<vmem>>, vector<16xf32>,
        tpu.vector_store %arg9[%swap3A_211], %get3A_22 {strides = array<i32>} : memref<256xf32, #tpu.memory_space<vmem>>, vector<16xf32>,
      } else {
      }
      %slice3A_175 = vector.extract_strided_slice %get3A_18 {offsets = [13], sizes = [1], strides = [1]} : vector<16xf32> to vector<1xf32>
      %squeeze3A_176 = vector.extract %slice3A_175[0] : f32 from vector<1xf32>
      %gt3A_177 = arith.constant 0.000000e+00 : f32
      %gt3A_178 = arith.cmpf ogt, %squeeze3A_176, %gt3A_177 : f32
      %convert_element_type3A_179 = arith.extui %gt3A_178 : i1 to i32
      %cond3A_180 = arith.constant 0 : i32
      %cond3A_181 = arith.cmpi ne, %convert_element_type3A_179, %cond3A_180 : i32
      scf.if %cond3A_181 {
        %swap3A_211 = arith.constant 208 : index
        %swap3A_212 = tpu.vector_load %arg9[%swap3A_211] {strides = array<i32>} : memref<256xf32, #tpu.memory_space<vmem>>, vector<16xf32>,
        tpu.vector_store %arg9[%swap3A_211], %get3A_20 {strides = array<i32>} : memref<256xf32, #tpu.memory_space<vmem>>, vector<16xf32>,
      } else {
      }
      %le3A_182 = arith.constant 0.000000e+00 : f32
      %le3A_183 = arith.cmpf ole, %squeeze3A_176, %le3A_182 : f32
      %convert_element_type3A_184 = arith.extui %le3A_183 : i1 to i32
      %cond3A_185 = arith.constant 0 : i32
      %cond3A_186 = arith.cmpi ne, %convert_element_type3A_184, %cond3A_185 : i32
      scf.if %cond3A_186 {
        %swap3A_211 = arith.constant 208 : index
        %swap3A_212 = tpu.vector_load %arg9[%swap3A_211] {strides = array<i32>} : memref<256xf32, #tpu.memory_space<vmem>>, vector<16xf32>,
        tpu.vector_store %arg9[%swap3A_211], %get3A_22 {strides = array<i32>} : memref<256xf32, #tpu.memory_space<vmem>>, vector<16xf32>,
      } else {
      }
      %slice3A_187 = vector.extract_strided_slice %get3A_18 {offsets = [14], sizes = [1], strides = [1]} : vector<16xf32> to vector<1xf32>
      %squeeze3A_188 = vector.extract %slice3A_187[0] : f32 from vector<1xf32>
      %gt3A_189 = arith.constant 0.000000e+00 : f32
      %gt3A_190 = arith.cmpf ogt, %squeeze3A_188, %gt3A_189 : f32
      %convert_element_type3A_191 = arith.extui %gt3A_190 : i1 to i32
      %cond3A_192 = arith.constant 0 : i32
      %cond3A_193 = arith.cmpi ne, %convert_element_type3A_191, %cond3A_192 : i32
      scf.if %cond3A_193 {
        %swap3A_211 = arith.constant 224 : index
        %swap3A_212 = tpu.vector_load %arg9[%swap3A_211] {strides = array<i32>} : memref<256xf32, #tpu.memory_space<vmem>>, vector<16xf32>,
        tpu.vector_store %arg9[%swap3A_211], %get3A_20 {strides = array<i32>} : memref<256xf32, #tpu.memory_space<vmem>>, vector<16xf32>,
      } else {
      }
      %le3A_194 = arith.constant 0.000000e+00 : f32
      %le3A_195 = arith.cmpf ole, %squeeze3A_188, %le3A_194 : f32
      %convert_element_type3A_196 = arith.extui %le3A_195 : i1 to i32
      %cond3A_197 = arith.constant 0 : i32
      %cond3A_198 = arith.cmpi ne, %convert_element_type3A_196, %cond3A_197 : i32
      scf.if %cond3A_198 {
        %swap3A_211 = arith.constant 224 : index
        %swap3A_212 = tpu.vector_load %arg9[%swap3A_211] {strides = array<i32>} : memref<256xf32, #tpu.memory_space<vmem>>, vector<16xf32>,
        tpu.vector_store %arg9[%swap3A_211], %get3A_22 {strides = array<i32>} : memref<256xf32, #tpu.memory_space<vmem>>, vector<16xf32>,
      } else {
      }
      %slice3A_199 = vector.extract_strided_slice %get3A_18 {offsets = [15], sizes = [1], strides = [1]} : vector<16xf32> to vector<1xf32>
      %squeeze3A_200 = vector.extract %slice3A_199[0] : f32 from vector<1xf32>
      %gt3A_201 = arith.constant 0.000000e+00 : f32
      %gt3A_202 = arith.cmpf ogt, %squeeze3A_200, %gt3A_201 : f32
      %convert_element_type3A_203 = arith.extui %gt3A_202 : i1 to i32
      %cond3A_204 = arith.constant 0 : i32
      %cond3A_205 = arith.cmpi ne, %convert_element_type3A_203, %cond3A_204 : i32
      scf.if %cond3A_205 {
        %swap3A_211 = arith.constant 240 : index
        %swap3A_212 = tpu.vector_load %arg9[%swap3A_211] {strides = array<i32>} : memref<256xf32, #tpu.memory_space<vmem>>, vector<16xf32>,
        tpu.vector_store %arg9[%swap3A_211], %get3A_20 {strides = array<i32>} : memref<256xf32, #tpu.memory_space<vmem>>, vector<16xf32>,
      } else {
      }
      %le3A_206 = arith.constant 0.000000e+00 : f32
      %le3A_207 = arith.cmpf ole, %squeeze3A_200, %le3A_206 : f32
      %convert_element_type3A_208 = arith.extui %le3A_207 : i1 to i32
      %cond3A_209 = arith.constant 0 : i32
      %cond3A_210 = arith.cmpi ne, %convert_element_type3A_208, %cond3A_209 : i32
      scf.if %cond3A_210 {
        %swap3A_211 = arith.constant 240 : index
        %swap3A_212 = tpu.vector_load %arg9[%swap3A_211] {strides = array<i32>} : memref<256xf32, #tpu.memory_space<vmem>>, vector<16xf32>,
        tpu.vector_store %arg9[%swap3A_211], %get3A_22 {strides = array<i32>} : memref<256xf32, #tpu.memory_space<vmem>>, vector<16xf32>,
      } else {
      }
      "tpu.region"() ({
        %run_scoped3A = tpu.sem_alloc : memref<!tpu.dma_semaphore, #tpu.memory_space<semaphore_mem>>
        tpu.enqueue_dma source(%arg9 : memref<256xf32, #tpu.memory_space<vmem>>) target(%arg4 : memref<256xf32, #tpu.memory_space<hbm>>) target_semaphore(%run_scoped3A : memref<!tpu.dma_semaphore, #tpu.memory_space<semaphore_mem>>)
        tpu.wait_dma2 semaphore(%run_scoped3A : memref<!tpu.dma_semaphore, #tpu.memory_space<semaphore_mem>>) src(%arg9 : memref<256xf32, #tpu.memory_space<vmem>>) dst(%arg4 : memref<256xf32, #tpu.memory_space<hbm>>)
        tpu.yield
      }) : () -> ()
    } else {
    }
    return
  }
}

module attributes {stable_mosaic.version = 14 : i64} {
  func.func @_table_kernel(%arg0: memref<256x256xf32, #tpu.memory_space<vmem>>, %arg1: memref<1x256xf32, #tpu.memory_space<vmem>>, %arg2: memref<256x128xf32, #tpu.memory_space<vmem>>, %arg3: memref<1x128xf32, #tpu.memory_space<vmem>>, %arg4: memref<128x10xf32, #tpu.memory_space<vmem>>, %arg5: memref<1x10xf32, #tpu.memory_space<vmem>>, %arg6: memref<128x6xf32, #tpu.memory_space<vmem>>, %arg7: memref<1x6xf32, #tpu.memory_space<vmem>>, %arg8: memref<2x16xf32, #tpu.memory_space<vmem>>) attributes {dimension_semantics = [], scalar_prefetch = 0 : i64, scratch_operands = 0 : i64, tpu.core_type = #tpu.core_type<tc>} {
    %broadcast_in_dim3A = arith.constant 0.000000e+00 : f32
    %broadcast_in_dim3A_0 = vector.broadcast %broadcast_in_dim3A : f32 to vector<1x256xf32>
    %broadcast_in_dim3A_1 = arith.constant 0xFF800000 : f32
    %broadcast_in_dim3A_2 = vector.broadcast %broadcast_in_dim3A_1 : f32 to vector<1x256xf32>
    %concatenate3A = tpu.concatenate %broadcast_in_dim3A_0, %broadcast_in_dim3A_2 in 0 : vector<1x256xf32>, vector<1x256xf32> -> vector<2x256xf32>
    %get3A = arith.constant 0 : index
    %get3A_3 = arith.constant 0 : index
    %get3A_4 = vector.load %arg0[%get3A, %get3A_3] : memref<256x256xf32, #tpu.memory_space<vmem>>, vector<256x256xf32>
    %dot_general3A = arith.constant dense<0.000000e+00> : vector<2x256xf32>
    %dot_general3A_5 = tpu.matmul %concatenate3A, %get3A_4, %dot_general3A {dimension_numbers = #tpu.dot_dimension_numbers<[1], [0], [0], [1], [0, 0, 1, 1], [], []>, transpose_lhs_hint = false} : vector<2x256xf32>, vector<256x256xf32>, vector<2x256xf32> -> vector<2x256xf32>
    %get3A_6 = arith.constant 0 : index
    %get3A_7 = arith.constant 0 : index
    %get3A_8 = vector.load %arg1[%get3A_6, %get3A_7] : memref<1x256xf32, #tpu.memory_space<vmem>>, vector<1x256xf32>
    %add3A = vector.broadcast %get3A_8 : vector<1x256xf32> to vector<2x256xf32>
    %add3A_9 = arith.addf %dot_general3A_5, %add3A : vector<2x256xf32>
    %max3A = arith.constant 0.000000e+00 : f32
    %max3A_10 = vector.broadcast %max3A : f32 to vector<2x256xf32>
    %max3A_11 = arith.maximumf %add3A_9, %max3A_10 : vector<2x256xf32>
    %get3A_12 = arith.constant 0 : index
    %get3A_13 = arith.constant 0 : index
    %get3A_14 = vector.load %arg2[%get3A_12, %get3A_13] : memref<256x128xf32, #tpu.memory_space<vmem>>, vector<256x128xf32>
    %dot_general3A_15 = arith.constant dense<0.000000e+00> : vector<2x128xf32>
    %dot_general3A_16 = tpu.matmul %max3A_11, %get3A_14, %dot_general3A_15 {dimension_numbers = #tpu.dot_dimension_numbers<[1], [0], [0], [1], [0, 0, 1, 1], [], []>, transpose_lhs_hint = false} : vector<2x256xf32>, vector<256x128xf32>, vector<2x128xf32> -> vector<2x128xf32>
    %get3A_17 = arith.constant 0 : index
    %get3A_18 = arith.constant 0 : index
    %get3A_19 = vector.load %arg3[%get3A_17, %get3A_18] : memref<1x128xf32, #tpu.memory_space<vmem>>, vector<1x128xf32>
    %add3A_20 = vector.broadcast %get3A_19 : vector<1x128xf32> to vector<2x128xf32>
    %add3A_21 = arith.addf %dot_general3A_16, %add3A_20 : vector<2x128xf32>
    %max3A_22 = arith.constant 0.000000e+00 : f32
    %max3A_23 = vector.broadcast %max3A_22 : f32 to vector<2x128xf32>
    %max3A_24 = arith.maximumf %add3A_21, %max3A_23 : vector<2x128xf32>
    %get3A_25 = arith.constant 0 : index
    %get3A_26 = arith.constant 0 : index
    %get3A_27 = vector.load %arg4[%get3A_25, %get3A_26] : memref<128x10xf32, #tpu.memory_space<vmem>>, vector<128x10xf32>
    %dot_general3A_28 = arith.constant dense<0.000000e+00> : vector<2x10xf32>
    %dot_general3A_29 = tpu.matmul %max3A_24, %get3A_27, %dot_general3A_28 {dimension_numbers = #tpu.dot_dimension_numbers<[1], [0], [0], [1], [0, 0, 1, 1], [], []>, transpose_lhs_hint = false} : vector<2x128xf32>, vector<128x10xf32>, vector<2x10xf32> -> vector<2x10xf32>
    %get3A_30 = arith.constant 0 : index
    %get3A_31 = arith.constant 0 : index
    %get3A_32 = vector.load %arg5[%get3A_30, %get3A_31] : memref<1x10xf32, #tpu.memory_space<vmem>>, vector<1x10xf32>
    %add3A_33 = vector.broadcast %get3A_32 : vector<1x10xf32> to vector<2x10xf32>
    %add3A_34 = arith.addf %dot_general3A_29, %add3A_33 : vector<2x10xf32>
    %get3A_35 = arith.constant 0 : index
    %get3A_36 = arith.constant 0 : index
    %get3A_37 = vector.load %arg6[%get3A_35, %get3A_36] : memref<128x6xf32, #tpu.memory_space<vmem>>, vector<128x6xf32>
    %dot_general3A_38 = arith.constant dense<0.000000e+00> : vector<2x6xf32>
    %dot_general3A_39 = tpu.matmul %max3A_24, %get3A_37, %dot_general3A_38 {dimension_numbers = #tpu.dot_dimension_numbers<[1], [0], [0], [1], [0, 0, 1, 1], [], []>, transpose_lhs_hint = false} : vector<2x128xf32>, vector<128x6xf32>, vector<2x6xf32> -> vector<2x6xf32>
    %get3A_40 = arith.constant 0 : index
    %get3A_41 = arith.constant 0 : index
    %get3A_42 = vector.load %arg7[%get3A_40, %get3A_41] : memref<1x6xf32, #tpu.memory_space<vmem>>, vector<1x6xf32>
    %add3A_43 = vector.broadcast %get3A_42 : vector<1x6xf32> to vector<2x6xf32>
    %add3A_44 = arith.addf %dot_general3A_39, %add3A_43 : vector<2x6xf32>
    %concatenate3A_45 = tpu.concatenate %add3A_34, %add3A_44 in 1 : vector<2x10xf32>, vector<2x6xf32> -> vector<2x16xf32>
    %swap3A = arith.constant 0 : index
    %swap3A_46 = arith.constant 0 : index
    %swap3A_47 = vector.load %arg8[%swap3A, %swap3A_46] : memref<2x16xf32, #tpu.memory_space<vmem>>, vector<2x16xf32>
    tpu.vector_store %arg8[%swap3A, %swap3A_46], %concatenate3A_45 {strides = array<i32>} : memref<2x16xf32, #tpu.memory_space<vmem>>, vector<2x16xf32>,
    return
  }
}

</mosaic_0001>

<sc_bundles>
// kernel: kernel.4.cloned.1.call-start
scs
__scs_entry_jumppad:
0x0: {  	(pc) =	sbr.rel $0x88, $3  }
0x1: {  	(tag) =	ssettag $0x0;
	lr =	simm.s32 $0x1  }
0x2: {  	[smem:$0x3F98] =	sst lr;
	_ =	strace $0xD0000000  }
0x3: {  	_ = 	snop  }
0x4: {  	_ = 	snop  }
0x5: {  	_ = 	snop  }
0x6: {  	_ = 	snop  }
0x7: {  	_ = 	snop  }
__scs_overlays_trampoline_lowered:
0x8: {  	[smem:$0x3FA7] =	sst s0  }
0x9: {  	[smem:$0x3FA8] =	sst s1  }
0xa: {  	[smem:$0x3FA9] =	sst s2  }
0xb: {  	[smem:$0x3FAA] =	sst s3  }
0xc: {  	[smem:$0x3FAB] =	sst s4  }
0xd: {  	[smem:$0x3FAC] =	sst s5  }
0xe: {  	[smem:$0x3FAD] =	sst s6  }
0xf: {  	[smem:$0x3FAE] =	sst s7  }
0x10: {  	[smem:$0x3FAF] =	sst s8  }
0x11: {  	[smem:$0x3FB0] =	sst s9;
	s0 =	simm.s32 @!p0 $0x0  }
0x12: {  	s1 =	sld [smem:$0x3F96];
	s0 =	simm.s32 @p0 $0x1  }
0x13: {  	[smem:$0x3FB1] =	sst s0;
	s0 =	simm.s32 @!p1 $0x0  }
0x14: {  	s2 =	sld [smem:$0x3F95];
	s0 =	simm.s32 @p1 $0x1  }
0x15: {  	[smem:$0x3FB2] =	sst s0;
	s0 =	simm.s32 @!p2 $0x0  }
0x16: {  	s3 =	sld [smem:$0x3FDB];
	s0 =	simm.s32 @p2 $0x1  }
0x17: {  	s4 =	simm.s32 $0x1BF5;
	[smem:$0x3FB4] =	sst s0  }
0x18: {  	s0 =	sld [smem:$0x3F97];
	_ =	swait.ge [sflag:s4], $0x0  }
0x19: {  	s7 =	sld [smem:$0x3F98]  }
0x1a: {  	s8 =	sadd.s32 $0xFFFFE003, lr  }
0x1b: {  	s9 =	sadd.s32 $0xFFFFFEF7, lr;
	s5 =	simm.s32 $0xFFFFFFFF;
	p2 =	slt.u32 s8, $0xFFFFF086  }
0x1c: {  	p1 =	slt.u32 s9, $0xF7A;
	s5 =	simm.s32 @!p2 $0x0  }
0x1d: {  	s5 =	simm.s32 @p1 $0x1;
	p0 =	seq.s32 s7, s2  }
0x1e: {  	s7 =	smul.u32 @!p0 $0xF7A, s2;
	p2 =	seq.s32 @!p0 s5, $0x0  }
0x1f: {  	s9 =	smul.u32 $0xF7A, s1;
	s8 =	simm.s32 @!p0 $0x1BF5;
	p2 =	por !p2, p0  }
0x20: {  	[sflag:s8] =	ssyncset.s32 @!p0 $0xFFFFF086;
	s6 =	sadd.s32 @!p0 s3, s7;
	s7 =	simm.s32 @!p0 $0x108  }
0x21: {  	s3 =	sadd.s32 s3, s9;
	s6 =	sadd.s32 @!p0 $0x88, s6;
	s7 =	simm.s32 @p2 $0x1082  }
0x22: {  	[simem:s7], [sflag:s8] =	dma.local @!p0 [hbm:s6], $0xF7A  }
0x23: {  	s9 =	sor.u32 $0xD0000000, s2;
	s6 =	simm.s32 $0x108;
	_ =	swait.ge @!p0 [sflag:s8], $0x0  }
0x24: {  	s3 =	sadd.s32 $0x88, s3;
	s6 =	simm.s32 @!p1 $0x1082;
	[sflag:s4] =	ssyncset.s32 $0xFFFFF086  }
0x25: {  	[simem:s6], [sflag:s4] =	dma.local [hbm:s3], $0xF7A  }
0x26: {  	[smem:$0x3F98] =	sst s1;
	(tag) =	ssettag s2;
	_ =	strace s9  }
0x27: {  	s1 =	sld [smem:$0x3FA8]  }
0x28: {  	s2 =	sld [smem:$0x3FA9]  }
0x29: {  	s4 =	sld [smem:$0x3FAB]  }
0x2a: {  	p0 =	seq.s32 s5, $0x0;
	s5 =	sld [smem:$0x3FAC]  }
0x2b: {  	s6 =	sld [smem:$0x3FAD]  }
0x2c: {  	s7 =	sld [smem:$0x3FAE]  }
0x2d: {  	s3 =	simm.s32 $0x108;
	s8 =	sld [smem:$0x3FAF]  }
0x2e: {  	s3 =	simm.s32 @!p0 $0x1082;
	s9 =	sld [smem:$0x3FB0]  }
0x2f: {  	lr =	sadd.s32 s0, s3;
	s0 =	sld [smem:$0x3FA7]  }
0x30: {  	s3 =	sld [smem:$0x3FAA]  }
0x31: {  	[smem:$0x3FB3] =	sst s10  }
0x32: {  	s10 =	sld [smem:$0x3FB1];
	_ =	sdelay $0x3  }
0x33: {  	p0 =	seq.s32 s10, $0x1;
	s10 =	sld [smem:$0x3FB3];
	_ =	sdelay $0x3  }
0x34: {  	[smem:$0x3FB3] =	sst s10  }
0x35: {  	s10 =	sld [smem:$0x3FB2];
	_ =	sdelay $0x3  }
0x36: {  	p1 =	seq.s32 s10, $0x1;
	s10 =	sld [smem:$0x3FB3];
	_ =	sdelay $0x3  }
0x37: {  	[smem:$0x3FB3] =	sst s10  }
0x38: {  	s10 =	sld [smem:$0x3FB4]  }
0x39: {  	_ = 	snop;
	(pc) =	sbr.ind lr, $3  }
0x3a: {  	_ = 	snop  }
0x3b: {  	_ = 	snop  }
0x3c: {  	p2 =	seq.s32 s10, $0x1;
	s10 =	sld [smem:$0x3FB3]  }
0x3d: {  	_ =	shalt  }
0x3e: {  	_ =	shalt  }
0x3f: {  	_ =	shalt  }
0x40: {  	_ =	shalt  }
0x41: {  	_ =	shalt  }
0x42: {  	_ =	shalt  }
0x43: {  	_ =	shalt  }
0x44: {  	_ =	shalt  }
0x45: {  	_ =	shalt  }
0x46: {  	_ =	shalt  }
0x47: {  	_ =	shalt  }
0x48: {  	_ =	shalt  }
0x49: {  	_ =	shalt  }
0x4a: {  	_ =	shalt  }
0x4b: {  	_ =	shalt  }
0x4c: {  	_ =	shalt  }
0x4d: {  	_ =	shalt  }
0x4e: {  	_ =	shalt  }
0x4f: {  	_ =	shalt  }
0x50: {  	_ =	shalt  }
0x51: {  	_ =	shalt  }
0x52: {  	_ =	shalt  }
0x53: {  	_ =	shalt  }
0x54: {  	_ =	shalt  }
0x55: {  	_ =	shalt  }
0x56: {  	_ =	shalt  }
0x57: {  	_ =	shalt  }
0x58: {  	_ =	shalt  }
0x59: {  	_ =	shalt  }
0x5a: {  	_ =	shalt  }
0x5b: {  	_ =	shalt  }
0x5c: {  	_ =	shalt  }
0x5d: {  	_ =	shalt  }
0x5e: {  	_ =	shalt  }
0x5f: {  	_ =	shalt  }
0x60: {  	_ =	shalt  }
0x61: {  	_ =	shalt  }
0x62: {  	_ =	shalt  }
0x63: {  	_ =	shalt  }
0x64: {  	_ =	shalt  }
0x65: {  	_ =	shalt  }
0x66: {  	_ =	shalt  }
0x67: {  	_ =	shalt  }
0x68: {  	_ =	shalt  }
0x69: {  	_ =	shalt  }
0x6a: {  	_ =	shalt  }
0x6b: {  	_ =	shalt  }
0x6c: {  	_ =	shalt  }
0x6d: {  	_ =	shalt  }
0x6e: {  	_ =	shalt  }
0x6f: {  	_ =	shalt  }
0x70: {  	_ =	shalt  }
0x71: {  	_ =	shalt  }
0x72: {  	_ =	shalt  }
0x73: {  	_ =	shalt  }
0x74: {  	_ =	shalt  }
0x75: {  	_ =	shalt  }
0x76: {  	_ =	shalt  }
0x77: {  	_ =	shalt  }
0x78: {  	_ =	shalt  }
0x79: {  	_ =	shalt  }
0x7a: {  	_ =	shalt  }
0x7b: {  	_ =	shalt  }
0x7c: {  	_ =	shalt  }
0x7d: {  	_ =	shalt  }
0x7e: {  	_ =	shalt  }
0x7f: {  	_ =	shalt  }
0x80: {  	_ =	shalt  }
0x81: {  	_ =	shalt  }
0x82: {  	_ =	shalt  }
0x83: {  	_ =	shalt  }
0x84: {  	_ =	shalt  }
0x85: {  	_ =	shalt  }
0x86: {  	_ =	shalt  }
0x87: {  	_ =	shalt  }
.Lfunc_end0:
.L_simem_size_0:
called_computation_lowered:
.L_overlay_start_0:
0x88: {  	s2 =	sld [smem:$0x3FD9]  }
0x89: {  	s3 =	sld [smem:$0x3FFE];
	_ =	sdelay $0x1  }
0x8a: {  	s1 =	srdreg.scid  }
0x8b: {  	s0 =	sand.u32 $0x1, s1  }
0x8c: {  	s15 =	sshll.u32 s0, $0xA;
	s2 =	sadd.s32 s3, s2  }
0x8d: {  	s2 =	sadd.s32 s2, s15  }
0x8e: {  	[smem:$0x3FBF] =	sst s2  }
0x8f: {  	_ = 	snop  }
0x90: {  	s2 =	sld [smem:$0x3FD0];
	_ =	sdelay $0x2  }
0x91: {  	s4 =	simm.s32 $0xA;
	s5 =	simm.s32 $0x10;
	s16 =	sld [smem:$0x3FC9]  }
0x92: {  	[smem:s5], [sflag:s4] =	dma.local [hbm:s2], $0x1  }
0x93: {  	_ =	swait.eq [sflag:s4], $0x1  }
0x94: {  	[sflag:s4] =	ssyncset.done $0x0  }
0x95: {  	s17 =	sld [smem:$0x10];
	[sflag:s4] =	ssyncadd.s32 $0xFFFFFFFF  }
0x96: {  	s18 =	sld [smem:$0x11];
	(tm) =	ssettm $0x1  }
0x97: {  	s19 =	sld [smem:$0x3FFB];
	_ =	sdelay $0x3  }
0x98: {  	_ =	strace s19  }
0x99: {  	s5 =	sld [smem:$0x3FFC];
	_ =	sdelay $0x3  }
0x9a: {  	_ =	strace s5  }
0x9b: {  	s5 =	sld [smem:$0x3FFD];
	_ =	sdelay $0x3  }
0x9c: {  	_ =	strace s5  }
0x9d: {  	_ =	strace $0x8FFFFFFF  }
0x9e: {  	s20 =	sld [smem:$0x3FDB];
	_ =	sdelay $0x1  }
0x9f: {  	s6 =	simm.s32 $_scs_section_size  }
0xa0: {  	s7 =	simm.s32 $_size__tile_overlayer_lowered;
	s8 =	simm.s32 $_tile_overlayer_lowered  }
0xa1: {  	s23 =	simm.s32 $0x1BFF;
	s22 =	sshll.u32 s8, $0x1;
	s5 =	sadd.s32 s6, s20  }
0xa2: {  	s9 =	simm.s32 $0x0;
	s21 =	sshll.u32 s7, $0x1;
	s7 =	sadd.s32 s22, s5  }
0xa3: {  	[timem:s9], [sflag:s23] =	dma.local [hbm:s7], s21  }
0xa4: {  	_ =	swait.ge [sflag:s23], s21  }
0xa5: {  	s6 =	ssub.s32 $0x0, s21;
	[sflag:s23] =	ssyncset.done $0x0  }
0xa6: {  	[sflag:s23] =	ssyncadd.s32 s6;
	_ =	sdelay $0x1  }
0xa7: {  	s24 =	simm.s32 $0x1B8B  }
0xa8: {  	_ =	swait.ge [sflag:s24], $0x1  }
0xa9: {  	[sflag:s24] =	ssyncset.done $0x0  }
0xaa: {  	s25 =	simm.s32 $0x1B8E;
	[sflag:s24] =	ssyncadd.s32 $0xFFFFFFFF  }
0xab: {  	s26 =	simm.s32 $execute0_lowered;
	[smem:$0x3FD2] =	sst s25  }
0xac: {  	s6 =	sshll.u32 s26, $0x1;
	_ =	strace $0x80000046;
	[dreg:$0x1] =	wrdreg $0xFFFFFFFF  }
0xad: {  	s28 =	simm.s32 $_size_execute0_lowered;
	s5 =	sadd.s32 s5, s6;
	[dreg:$0x0] =	wrdreg $0x0  }
0xae: {  	s6 =	sshll.u32 s28, $0x1;
	[dreg:$0x2] =	wrdreg s5  }
0xaf: {  	[dreg:$0x3] =	wrdreg s6  }
0xb0: {  	[dreg:$0x4] =	wrdreg $0xC0  }
0xb1: {  	_ =	task [dreg:s9], $0x5FFFF  }
0xb2: {  	[dreg:$0x1] =	wrdreg $0xFFFFFFFF  }
0xb3: {  	[dreg:$0x0] =	wrdreg $0x60  }
0xb4: {  	[dreg:$0x2] =	wrdreg s16  }
0xb5: {  	[dreg:$0x3] =	wrdreg s17  }
0xb6: {  	[dreg:$0x4] =	wrdreg s18  }
0xb7: {  	[dreg:$0x5] =	wrdreg $0x1C000  }
0xb8: {  	[dreg:$0x6] =	wrdreg $0x9  }
0xb9: {  	_ =	task.clear_ibuf [dreg:s9], $0x7FFFF;
	_ =	strace $0x90000046  }
0xba: {  	s29 =	simm.s32 $0x9;
	_ =	strace $0x80000048  }
0xbb: {  	_ =	swait.ge [sflag:s29], $0x1  }
0xbc: {  	[sflag:s29] =	ssyncadd.s32 $0xFFFFFFFF  }
0xbd: {  	_ =	strace $0x90000048  }
0xbe: {  	_ =	sfence  }
0xbf: {  	s30 =	sld [smem:$0x0];
	_ =	sdelay $0x2  }
0xc0: {  	s31 =	sshll.u32 s1, $0xD;
	s1 =	sshrl.u32 s1, $0x2  }
0xc1: {  	s3 =	sand.u32 $0x4000, s31;
	s1 =	sadd.s32 s1, s30  }
0xc2: {  	s0 =	sor.u32 s3, s0;
	s1 =	sshll.u32 s1, $0x11  }
0xc3: {  	s0 =	sor.u32 s1, s0  }
0xc4: {  	s0 =	sadd.s32 $0x8F2B, s0  }
0xc5: {  	[sflag:s0] =	ssyncadd.remote.s32 $0x1  }
0xc6: {  	_ =	sfence.sel $0xFFFF  }
0xc7: {  	[dreg:$0x0] =	wrdreg $0xFFFFFFFF;
	(pc) =	sbr.abs _section_cstart, $3  }
0xc8: {  	[dreg:$0x1] =	wrdreg $0xFFFFFFFF  }
0xc9: {  	_ =	task.clear_ibuf [dreg:s9], $0x2FFFF;
	_ =	strace $0x9FFFFFFF  }
0xca: {  	(tm) =	ssettm $0x7FFFFFFF  }
0xcb: {  	_ =	shalt  }
tec
execute0_lowered:
.L_overlay_start_1:
0x0: {  	(tag) =	ssettag $0x1  }
0x1: {  	s5 =	rddreg [dreg:$0x0]  }
0x2: {  	s1 =	rddreg [dreg:$0x1]  }
0x3: {  	s2 =	rddreg [dreg:$0x2];
	s0 =	srdreg.scid  }
0x4: {  	s3 =	rddreg [dreg:$0x3];
	s7 =	stileid.u32  }
0x5: {  	s10 =	simm.s32 $0x1A80;
	s11 =	simm.s32 $0x0;
	s9 =	smul.u32 $0x30C, s7  }
.Ltmp0:
0x6: {  	s4 =	sand.u32 $0x1, s0;
	s0 =	rddreg [dreg:$0x4];
	(pc) =	sbr.rel .LBB2_1-.Ltmp0, $4  }
0x7: {  	p0 =	sne.s32 s7, $0x0;
	s6 =	ssub.s32 $0x2, s4;
	s4 =	simm.s32 $0x0  }
0x8: {  	s7 =	simm.s32 $0x1;
	s8 =	sshrl.u32 s6, $0x1;
	[smem:$0x7FF] =	sst s4  }
0x9: {  	v0 =	vimm.f32 $0.0e+00;
	s5 =	sadd.s32 s5, s9;
	s9 =	simm.s32 $0x1A00;
	s6 =	ssub.s32 s6, s8  }
0xa: {  	v1 =	vimm.f32 $1.000000000e+00;
	vm0 =	vmmov $0xffff;
	v2 =	vlaneseq.u32;
	_ =	strace $0x80000047;
	s8 =	simm.s32 $0x1900;
	s6 =	smax.u32 s6, $0x1  }
.LBB2_5:
0xb: {  	s11 =	sadd.s32 $0x1, s11  }
0xc: {  	p1 =	sne.s32 s11, s6  }
.Ltmp1:
0xd: {  	_ = 	snop;
	(pc) =	sbr.rel @!p1 .LBB2_6-.Ltmp1, $1  }
0xe: {  	_ =	sdelay $0x3  }
.LBB2_1:
0xf: {  	v3 =	vimm.f32 @!p0 $0.0e+00  }
0x10: {  	s12 =	simm.s32 @!p0 $0x1B80;
	[tilespmem:$0x1B80] =	vst @!p0 v3  }
0x11: {  	[spmem:s3] =	stream.linear.scatter @!p0 [tilespmem:s12], [sflag:$0x1], $0x80, $0x38;
	[tilespmem:$0x1C08] =	vst v63  }
0x12: {  	s12 =	simm.s32 @!p0 $0x1  }
0x13: {  	_ =	swait.ge @!p0 [sflag:s12], $0x80  }
0x14: {  	[sflag:s12] =	ssyncset.done @!p0 $0x0  }
0x15: {  	s13 =	simm.s32 @!p0 $0x0;
	s14 =	simm.s32 @!p0 $0x1980;
	[sflag:s12] =	ssyncadd.s32 @!p0 $0xFFFFFF80  }
0x16: {  	[tilespmem:s14], [sflag:$0x1] =	stream.linear.gather @!p0 [hbm4b:s1+s13], $0x80, $0x38;
	[tilespmem:$0x1C08] =	vst v63  }
0x17: {  	_ =	swait.ge @!p0 [sflag:s12], $0x80  }
0x18: {  	[sflag:s12] =	ssyncset.done @!p0 $0x0  }
0x19: {  	[sflag:s12] =	ssyncadd.s32 @!p0 $0xFFFFFF80  }
0x1a: {  	[tilespmem:s4], [sflag:$0x1] =	stream.linear.gather [hbm4b:s5+s4], $0x1900, $0x38;
	[tilespmem:$0x1C08] =	vst v63  }
0x1b: {  	_ =	swait.ge [sflag:s7], $0x1900  }
0x1c: {  	[sflag:s7] =	ssyncset.done $0x0  }
0x1d: {  	[sflag:s7] =	ssyncadd.s32 $0xFFFFE700  }
0x1e: {  	[bflag:$0x0] =	sbarrier.arrive $0xFFFF  }
0x1f: {  	s13 =	simm.s32 $0x0;
	s12 =	simm.s32 $0x40;
	[tilespmem:$0x1900] =	vst v0  }
.LBB2_2:
0x20: {  	p1 =	sne.s32 s12, $0x63C0;
	v3 =	vld [tilespmem:s13+$0x0];
	_ =	sdelay $0x3  }
.Ltmp2:
0x21: {  	(pc) =	sbr.rel @p1 .LBB2_2-.Ltmp2, $2  }
0x22: {  	_ =	sdelay $0x2  }
0x23: {  	s13 =	sshra.s32 s12, $0x2;
	s12 =	sadd.s32 $0x40, s12;
	[tilespmem:v3+s8+$0x0] =	vst.idx.msk $0xffff, v1  }
0x24: {  	v3 =	vld [tilespmem:s13+$0x0];
	_ =	sdelay $0x7  }
0x25: {  	[tilespmem:v3+s8+$0x0] =	vst.idx.msk $0xffff, v1  }
0x26: {  	[spmem:s3] =	stream.indirect_vreg.scatter.add.f32 [tilespmem:s8], [sflag:$0x1], $0x1, v2, vm0, $0xb8;
	[tilespmem:$0x1C08] =	vst v63  }
.Ltmp3:
0x27: {  	_ =	swait.ge [sflag:s7], $0x10;
	(pc) =	sbr.rel @p0 .LBB2_5-.Ltmp3, $3  }
0x28: {  	[sflag:s7] =	ssyncset.done $0x0  }
0x29: {  	[sflag:s7] =	ssyncadd.s32 $0xFFFFFFF0  }
0x2a: {  	[bflag:$0x0] =	sbarrier.arrive $0xFFFF;
	_ =	sdelay $0x1  }
0x2b: {  	[tilespmem:s9], [sflag:$0x1] =	stream.linear.gather [spmem:s3], $0x80, $0x38;
	[tilespmem:$0x1C08] =	vst v63  }
0x2c: {  	_ =	swait.ge [sflag:s7], $0x80  }
0x2d: {  	[sflag:s7] =	ssyncset.done $0x0  }
0x2e: {  	[sflag:s7] =	ssyncadd.s32 $0xFFFFFF80  }
0x2f: {  	v3 =	vld [tilespmem:$0x1A00];
	_ =	sdelay $0x4  }
0x30: {  	(v2sf) =	vpush v3, $0x0  }
0x31: {  	(v2sf) =	vpush v3, $0x1;
	_ =	sdelay $0x6  }
0x32: {  	(v2sf) =	vpush v3, $0x2;
	_ =	sdelay $0x1  }
0x33: {  	(v2sf) =	vpush v3, $0x3  }
0x34: {  	(v2sf) =	vpush v3, $0x4  }
0x35: {  	(v2sf) =	vpush v3, $0x5  }
0x36: {  	(v2sf) =	vpush v3, $0x6  }
0x37: {  	(v2sf) =	vpush v3, $0x7  }
0x38: {  	(v2sf) =	vpush v3, $0x8;
	s12 =	spop (v2sf)  }
0x39: {  	(v2sf) =	vpush v3, $0x9;
	s13 =	spop (v2sf)  }
0x3a: {  	(v2sf) =	vpush v3, $0xA;
	p3 =	sne.f32 s13, s13  }
0x3b: {  	(v2sf) =	vpush v3, $0xB  }
0x3c: {  	(v2sf) =	vpush v3, $0xC;
	p2 =	sne.f32 s12, s12;
	p5 =	sle.f32 @!p3 s13, $0.0e+00  }
0x3d: {  	(v2sf) =	vpush v3, $0xD  }
0x3e: {  	v4 =	vld [tilespmem:$0x1990];
	(v2sf) =	vpush v3, $0xE;
	p1 =	sle.f32 @!p2 s12, $0.0e+00;
	s12 =	simm.s32 @!p5 $0x0  }
0x3f: {  	(v2sf) =	vpush v3, $0xF;
	v3 =	vld [tilespmem:$0x1980];
	s12 =	simm.s32 @p5 $0x1  }
0x40: {  	s14 =	spop (v2sf);
	[smem:$0x7E4] =	sst s12  }
0x41: {  	p4 =	sne.f32 s14, s14;
	s29 =	sld [smem:$0x7E4]  }
0x42: {  	_ = 	snop  }
0x43: {  	p1 =	por !p1, p2;
	p5 =	sle.f32 @!p4 s14, $0.0e+00  }
0x44: {  	v5 =	vpsel p1, v3, v4;
	p1 =	seq.s32 s29, $0x1  }
0x45: {  	s13 =	simm.s32 @!p5 $0x0;
	p1 =	por !p1, p3  }
0x46: {  	s13 =	simm.s32 @p5 $0x1;
	s14 =	simm.s32 @!p1 $0x0  }
0x47: {  	[smem:$0x7E6] =	sst s13;
	s14 =	simm.s32 @p1 $0x1  }
0x48: {  	s15 =	spop (v2sf);
	[smem:$0x7E5] =	sst s14  }
0x49: {  	p5 =	sne.f32 s15, s15;
	s30 =	sld [smem:$0x7E5]  }
0x4a: {  	s31 =	sld [smem:$0x7E6]  }
0x4b: {  	p1 =	sle.f32 @!p5 s15, $0.0e+00  }
0x4c: {  	[tilespmem:$0x1A80] =	vst @!p2 v5;
	p2 =	seq.s32 s30, $0x1  }
0x4d: {  	s14 =	simm.s32 @!p1 $0x0;
	v5 =	vpsel p2, v3, v4;
	p2 =	seq.s32 s31, $0x1  }
0x4e: {  	s14 =	simm.s32 @p1 $0x1;
	p2 =	por !p2, p4  }
0x4f: {  	[smem:$0x7E8] =	sst s14;
	s14 =	simm.s32 @!p2 $0x0  }
0x50: {  	s16 =	spop (v2sf);
	s14 =	simm.s32 @p2 $0x1  }
0x51: {  	p6 =	sne.f32 s16, s16;
	[smem:$0x7E7] =	sst s14  }
0x52: {  	s15 =	sld [smem:$0x7E7]  }
0x53: {  	p2 =	sle.f32 @!p6 s16, $0.0e+00;
	s16 =	sld [smem:$0x7E8]  }
0x54: {  	_ = 	snop  }
0x55: {  	[tilespmem:$0x1A90] =	vst @!p3 v5;
	p3 =	seq.s32 s15, $0x1  }
0x56: {  	s14 =	simm.s32 @!p2 $0x0;
	v5 =	vpsel p3, v3, v4;
	p3 =	seq.s32 s16, $0x1  }
0x57: {  	s14 =	simm.s32 @p2 $0x1;
	p3 =	por !p3, p5  }
0x58: {  	s17 =	spop (v2sf);
	[smem:$0x7EA] =	sst s14;
	s14 =	simm.s32 @!p3 $0x0  }
0x59: {  	p1 =	sne.f32 s17, s17;
	s14 =	simm.s32 @p3 $0x1  }
0x5a: {  	[smem:$0x7E9] =	sst s14  }
0x5b: {  	p3 =	sle.f32 @!p1 s17, $0.0e+00;
	s17 =	sld [smem:$0x7E9]  }
0x5c: {  	s26 =	sld [smem:$0x7EA];
	_ =	sdelay $0x1  }
0x5d: {  	[tilespmem:$0x1AA0] =	vst @!p4 v5;
	p4 =	seq.s32 s17, $0x1  }
0x5e: {  	s14 =	simm.s32 @!p3 $0x0;
	v5 =	vpsel p4, v3, v4;
	p4 =	seq.s32 s26, $0x1  }
0x5f: {  	s14 =	simm.s32 @p3 $0x1;
	p4 =	por !p4, p6  }
0x60: {  	[smem:$0x7EC] =	sst s14;
	s14 =	simm.s32 @!p4 $0x0  }
0x61: {  	s14 =	simm.s32 @p4 $0x1  }
0x62: {  	s18 =	spop (v2sf);
	[smem:$0x7EB] =	sst s14  }
0x63: {  	p2 =	sne.f32 s18, s18;
	s28 =	sld [smem:$0x7EB]  }
0x64: {  	s29 =	sld [smem:$0x7EC]  }
0x65: {  	p4 =	sle.f32 @!p2 s18, $0.0e+00  }
0x66: {  	[tilespmem:$0x1AB0] =	vst @!p5 v5;
	p5 =	seq.s32 s28, $0x1  }
0x67: {  	s14 =	simm.s32 @!p4 $0x0;
	v5 =	vpsel p5, v3, v4;
	p5 =	seq.s32 s29, $0x1  }
0x68: {  	s14 =	simm.s32 @p4 $0x1;
	p5 =	por !p5, p1  }
0x69: {  	[smem:$0x7EE] =	sst s14;
	s14 =	simm.s32 @!p5 $0x0  }
0x6a: {  	s14 =	simm.s32 @p5 $0x1  }
0x6b: {  	s19 =	spop (v2sf);
	[smem:$0x7ED] =	sst s14  }
0x6c: {  	p3 =	sne.f32 s19, s19;
	s30 =	sld [smem:$0x7ED]  }
0x6d: {  	s31 =	sld [smem:$0x7EE]  }
0x6e: {  	p5 =	sle.f32 @!p3 s19, $0.0e+00  }
0x6f: {  	[tilespmem:$0x1AC0] =	vst @!p6 v5;
	p6 =	seq.s32 s30, $0x1  }
0x70: {  	s14 =	simm.s32 @!p5 $0x0;
	v5 =	vpsel p6, v3, v4;
	p6 =	seq.s32 s31, $0x1  }
0x71: {  	s14 =	simm.s32 @p5 $0x1;
	p6 =	por !p6, p2  }
0x72: {  	[smem:$0x7F0] =	sst s14;
	s14 =	simm.s32 @!p6 $0x0  }
0x73: {  	s14 =	simm.s32 @p6 $0x1  }
0x74: {  	s20 =	spop (v2sf);
	[smem:$0x7EF] =	sst s14  }
0x75: {  	p4 =	sne.f32 s20, s20;
	s15 =	sld [smem:$0x7EF]  }
0x76: {  	s16 =	sld [smem:$0x7F0]  }
0x77: {  	p6 =	sle.f32 @!p4 s20, $0.0e+00  }
0x78: {  	[tilespmem:$0x1AD0] =	vst @!p1 v5;
	p1 =	seq.s32 s15, $0x1  }
0x79: {  	s14 =	simm.s32 @!p6 $0x0;
	v5 =	vpsel p1, v3, v4;
	p1 =	seq.s32 s16, $0x1  }
0x7a: {  	s14 =	simm.s32 @p6 $0x1;
	p1 =	por !p1, p3  }
0x7b: {  	[smem:$0x7F2] =	sst s14;
	s14 =	simm.s32 @!p1 $0x0  }
0x7c: {  	s14 =	simm.s32 @p1 $0x1  }
0x7d: {  	s21 =	spop (v2sf);
	[smem:$0x7F1] =	sst s14  }
0x7e: {  	p5 =	sne.f32 s21, s21;
	s17 =	sld [smem:$0x7F1]  }
0x7f: {  	s18 =	sld [smem:$0x7F2]  }
0x80: {  	p1 =	sle.f32 @!p5 s21, $0.0e+00  }
0x81: {  	[tilespmem:$0x1AE0] =	vst @!p2 v5;
	p2 =	seq.s32 s17, $0x1  }
0x82: {  	s14 =	simm.s32 @!p1 $0x0;
	v5 =	vpsel p2, v3, v4;
	p2 =	seq.s32 s18, $0x1  }
0x83: {  	s14 =	simm.s32 @p1 $0x1;
	p2 =	por !p2, p4  }
0x84: {  	[smem:$0x7F4] =	sst s14;
	s14 =	simm.s32 @!p2 $0x0  }
0x85: {  	s14 =	simm.s32 @p2 $0x1  }
0x86: {  	s22 =	spop (v2sf);
	[smem:$0x7F3] =	sst s14  }
0x87: {  	p6 =	sne.f32 s22, s22;
	s19 =	sld [smem:$0x7F3]  }
0x88: {  	s20 =	sld [smem:$0x7F4]  }
0x89: {  	p2 =	sle.f32 @!p6 s22, $0.0e+00  }
0x8a: {  	[tilespmem:$0x1AF0] =	vst @!p3 v5;
	p3 =	seq.s32 s19, $0x1  }
0x8b: {  	s14 =	simm.s32 @!p2 $0x0;
	v5 =	vpsel p3, v3, v4;
	p3 =	seq.s32 s20, $0x1  }
0x8c: {  	s14 =	simm.s32 @p2 $0x1;
	p3 =	por !p3, p5  }
0x8d: {  	[smem:$0x7F6] =	sst s14;
	s14 =	simm.s32 @!p3 $0x0  }
0x8e: {  	s14 =	simm.s32 @p3 $0x1  }
0x8f: {  	s23 =	spop (v2sf);
	[smem:$0x7F5] =	sst s14  }
0x90: {  	p1 =	sne.f32 s23, s23;
	s21 =	sld [smem:$0x7F5]  }
0x91: {  	s22 =	sld [smem:$0x7F6]  }
0x92: {  	p3 =	sle.f32 @!p1 s23, $0.0e+00  }
0x93: {  	[tilespmem:$0x1B00] =	vst @!p4 v5;
	p4 =	seq.s32 s21, $0x1  }
0x94: {  	s14 =	simm.s32 @!p3 $0x0;
	v5 =	vpsel p4, v3, v4;
	p4 =	seq.s32 s22, $0x1  }
0x95: {  	s14 =	simm.s32 @p3 $0x1;
	p4 =	por !p4, p6  }
0x96: {  	[smem:$0x7F8] =	sst s14;
	s14 =	simm.s32 @!p4 $0x0  }
0x97: {  	s24 =	spop (v2sf);
	s14 =	simm.s32 @p4 $0x1  }
0x98: {  	p2 =	sne.f32 s24, s24;
	[smem:$0x7F7] =	sst s14  }
0x99: {  	s23 =	sld [smem:$0x7F7]  }
0x9a: {  	p4 =	sle.f32 @!p2 s24, $0.0e+00;
	s24 =	sld [smem:$0x7F8]  }
0x9b: {  	_ = 	snop  }
0x9c: {  	[tilespmem:$0x1B10] =	vst @!p5 v5;
	p5 =	seq.s32 s23, $0x1  }
0x9d: {  	s14 =	simm.s32 @!p4 $0x0;
	v5 =	vpsel p5, v3, v4;
	p5 =	seq.s32 s24, $0x1  }
0x9e: {  	s14 =	simm.s32 @p4 $0x1;
	p5 =	por !p5, p1  }
0x9f: {  	[smem:$0x7FA] =	sst s14;
	s14 =	simm.s32 @!p5 $0x0  }
0xa0: {  	s14 =	simm.s32 @p5 $0x1  }
0xa1: {  	s25 =	spop (v2sf);
	[smem:$0x7F9] =	sst s14  }
0xa2: {  	p3 =	sne.f32 s25, s25;
	s26 =	sld [smem:$0x7F9]  }
0xa3: {  	s28 =	sld [smem:$0x7FA]  }
0xa4: {  	p5 =	sle.f32 @!p3 s25, $0.0e+00  }
0xa5: {  	[tilespmem:$0x1B20] =	vst @!p6 v5;
	p6 =	seq.s32 s26, $0x1  }
0xa6: {  	s12 =	spop (v2sf);
	s14 =	simm.s32 @!p5 $0x0;
	v5 =	vpsel p6, v3, v4;
	p6 =	seq.s32 s28, $0x1  }
0xa7: {  	p4 =	sne.f32 s12, s12;
	s14 =	simm.s32 @p5 $0x1;
	p6 =	por !p6, p2  }
0xa8: {  	[smem:$0x7FC] =	sst s14;
	s14 =	simm.s32 @!p6 $0x0  }
0xa9: {  	s14 =	simm.s32 @p6 $0x1;
	p6 =	sle.f32 @!p4 s12, $0.0e+00  }
0xaa: {  	s30 =	sld [smem:$0x7FC]  }
0xab: {  	[smem:$0x7FB] =	sst s14;
	s12 =	simm.s32 @!p6 $0x0  }
0xac: {  	s29 =	sld [smem:$0x7FB];
	s12 =	simm.s32 @p6 $0x1  }
0xad: {  	[smem:$0x7FD] =	sst s12  }
0xae: {  	s13 =	spop (v2sf);
	s31 =	sld [smem:$0x7FD]  }
0xaf: {  	p5 =	sne.f32 s13, s13;
	p6 =	seq.s32 s29, $0x1  }
0xb0: {  	[tilespmem:$0x1B30] =	vst @!p1 v5;
	v5 =	vpsel p6, v3, v4;
	p6 =	seq.s32 s30, $0x1  }
0xb1: {  	p1 =	por !p6, p3;
	p6 =	sle.f32 @!p5 s13, $0.0e+00;
	[tilespmem:$0x1B40] =	vst @!p2 v5;
	p2 =	seq.s32 s31, $0x1  }
0xb2: {  	v5 =	vpsel p1, v3, v4;
	p1 =	por !p2, p4  }
0xb3: {  	[tilespmem:$0x1B50] =	vst @!p3 v5;
	p6 =	por !p6, p5;
	v5 =	vpsel p1, v3, v4  }
0xb4: {  	v3 =	vpsel p6, v3, v4;
	[tilespmem:$0x1B60] =	vst @!p4 v5  }
.Ltmp4:
0xb5: {  	[tilespmem:$0x1B70] =	vst @!p5 v3;
	(pc) =	sbr.rel .LBB2_5-.Ltmp4, $4  }
0xb6: {  	[hbm4b:s2+s4] =	stream.linear.scatter [tilespmem:s10], [sflag:$0x1], $0x100, $0x38;
	[tilespmem:$0x1C08] =	vst v63  }
0xb7: {  	_ =	swait.ge [sflag:s7], $0x100  }
0xb8: {  	[sflag:s7] =	ssyncset.done $0x0  }
0xb9: {  	[sflag:s7] =	ssyncadd.s32 $0xFFFFFF00  }
.LBB2_6:
0xba: {  	_ =	sfence.sel $0x180000  }
0xbb: {  	[bflag:$0x0] =	sbarrier.arrive $0xFFFF  }
0xbc: {  	_ =	strace $0x90000047  }
0xbd: {  	s0 =	sadd.s32 @!p0 $0x100000, s0;
	[bflag:$0x2] =	sbarrier.arrive $0xFFFF  }
0xbe: {  	[sflag:s0] =	ssyncadd.tile.s32 @!p0 $0x1;
	_ =	shalt  }
.Lfunc_end2:
_tile_overlayer_lowered:
.L_overlay_start_2:
0xbf: {  	(tag) =	ssettag $0x2  }
0xc0: {  	s0 =	rddreg [dreg:$0x0];
	s2 =	stileid.u32  }
0xc1: {  	s1 =	rddreg [dreg:$0x1];
	p0 =	sne.s32 s2, $0x0  }
0xc2: {  	s3 =	rddreg [dreg:$0x2];
	[bflag:$0x3] =	sbarrier.arrive $0xFFFF;
	s2 =	simm.s32 @!p0 $0x1C01  }
0xc3: {  	[timem:s3], [sflag:s2] =	dma.local @!p0 [hbm:s0], s1  }
0xc4: {  	s0 =	simm.s32 @!p0 $0x1  }
0xc5: {  	_ =	swait.ge @!p0 [sflag:s0], s1  }
0xc6: {  	s1 =	ssub.s32 @!p0 $0x0, s1;
	[sflag:s0] =	ssyncset.done @!p0 $0x0  }
0xc7: {  	[sflag:s0] =	ssyncadd.s32 @!p0 s1  }
0xc8: {  	[bflag:$0x3] =	sbarrier.arrive $0xFFFF  }
0xc9: {  	_ =	shalt  }

</sc_bundles>
